<compile_context>
chip_gen: v7x
topology: tpu7x:2x2x1
jax: 0.10.2.dev20260603
libtpu: 0.0.44.dev20260713+nightly
codegen_flags: <defaults>
</compile_context>

<pallas_src>
import jax
import jax.numpy as jnp
from jax import lax
from jax.experimental import pallas as pl
from jax.experimental.pallas import tpu as pltpu
from jax.experimental.pallas import tpu_sc as plsc

_NS = 16384
_NA = 512
_AS = 512
_K = 128
_BLK = 128
_NB = _NS // _BLK
_NBLK = _NA * _NB
_CH = 2048
_NCH = _NS // _CH
_NEG = float("-inf")
_BIG = 2**30


def _k1_body(x_ref, m_ref):
    xr = x_ref[:].reshape(_NA, _CH // _BLK, _BLK)
    m = jnp.max(xr, axis=2)
    m_ref[:] = m.T


def _k1(x):
    batch = x.shape[0]
    return pl.pallas_call(
        _k1_body,
        grid=(batch, _NCH),
        in_specs=[pl.BlockSpec((None, _NA, _CH), lambda b, c: (b, 0, c))],
        out_specs=pl.BlockSpec((None, _CH // _BLK, _NA), lambda b, c: (b, c, 0)),
        out_shape=jax.ShapeDtypeStruct((batch, _NB, _NA), jnp.float32),
    )(x)


def _k2_body(m_ref, blk_ref, ms_ref):
    ms_ref[:] = m_ref[:]
    i_c = lax.broadcasted_iota(jnp.int32, (_NB, _NA), 0)
    i_r = lax.broadcasted_iota(jnp.int32, (_NB, _NA), 1)
    i_blk = i_r * _NB + i_c
    lane = lax.broadcasted_iota(jnp.int32, (1, _K), 1)

    def body(k, acc):
        m = ms_ref[:]
        vmax = jnp.max(m)
        fb = jnp.min(jnp.where(m == vmax, i_blk, _BIG))
        ms_ref[:] = jnp.where(i_blk == fb, _NEG, m)
        return jnp.where(lane == k, fb, acc)

    blk_ref[:] = lax.fori_loop(0, _K, body, jnp.zeros((1, _K), jnp.int32))


def _k2(m):
    batch = m.shape[0]
    return pl.pallas_call(
        _k2_body,
        grid=(batch,),
        in_specs=[pl.BlockSpec((None, _NB, _NA), lambda b: (b, 0, 0))],
        out_specs=pl.BlockSpec((None, 1, _K), lambda b: (b, 0, 0)),
        out_shape=jax.ShapeDtypeStruct((batch, 1, _K), jnp.int32),
        scratch_shapes=[pltpu.VMEM((_NB, _NA), jnp.float32)],
    )(m)


def _k3_body(blk_hbm, xrows_hbm, c_hbm, ids_v, idg_v, cand_v, sem):
    batch = blk_hbm.shape[0]
    c = lax.axis_index("c")
    s = lax.axis_index("s")
    wid = s * 2 + c
    b = lax.bitwise_and(wid, batch - 1)
    pltpu.sync_copy(blk_hbm.at[b], ids_v)
    for i in range(_K // 16):
        iv = ids_v[pl.ds(i * 16, 16)]
        idg_v[pl.ds(i * 16, 16)] = iv + b * _NBLK
    pltpu.make_async_copy(xrows_hbm.at[idg_v], cand_v, sem).wait()

    @pl.when(wid < batch)
    def _store():
        pltpu.sync_copy(cand_v, c_hbm.at[wid])


def _k3(blk, xrows):
    batch = blk.shape[0]
    f = pl.kernel(
        _k3_body,
        out_type=jax.ShapeDtypeStruct((batch, _K, _BLK), jnp.float32),
        mesh=plsc.VectorSubcoreMesh(core_axis_name="c", subcore_axis_name="s"),
        scratch_types=[
            pltpu.VMEM((_K,), jnp.int32),
            pltpu.VMEM((_K,), jnp.int32),
            pltpu.VMEM((_K, _BLK), jnp.float32),
            pltpu.SemaphoreType.DMA,
        ],
    )
    return f(blk, xrows)


def _k4_body(c_ref, blk_ref, vals_ref, gidx_ref, cs_ref):
    cs_ref[:] = c_ref[:]
    i_s = lax.broadcasted_iota(jnp.int32, (_K, _BLK), 0)
    i_j = lax.broadcasted_iota(jnp.int32, (_K, _BLK), 1)
    i_flat = i_s * _BLK + i_j
    lane = lax.broadcasted_iota(jnp.int32, (1, _K), 1)
    blkrow = blk_ref[:]

    def body(k, carry):
        vacc, iacc = carry
        m = cs_ref[:]
        vmax = jnp.max(m)
        flat = jnp.min(jnp.where(m == vmax, i_flat, _BIG))
        slot = flat // _BLK
        j = flat - slot * _BLK
        bid = jnp.min(jnp.where(lane == slot, blkrow, _BIG))
        gid = bid * _BLK + j
        cs_ref[:] = jnp.where(i_flat == flat, _NEG, m)
        vacc = jnp.where(lane == k, vmax, vacc)
        iacc = jnp.where(lane == k, gid, iacc)
        return (vacc, iacc)

    vacc, iacc = lax.fori_loop(
        0, _K, body,
        (jnp.zeros((1, _K), jnp.float32), jnp.zeros((1, _K), jnp.int32)))
    vals_ref[:] = vacc
    gidx_ref[:] = iacc


def _k4(cand, blk):
    batch = cand.shape[0]
    return pl.pallas_call(
        _k4_body,
        grid=(batch,),
        in_specs=[
            pl.BlockSpec((None, _K, _BLK), lambda b: (b, 0, 0)),
            pl.BlockSpec((None, 1, _K), lambda b: (b, 0, 0)),
        ],
        out_specs=[
            pl.BlockSpec((None, 1, _K), lambda b: (b, 0, 0)),
            pl.BlockSpec((None, 1, _K), lambda b: (b, 0, 0)),
        ],
        out_shape=[
            jax.ShapeDtypeStruct((batch, 1, _K), jnp.float32),
            jax.ShapeDtypeStruct((batch, 1, _K), jnp.int32),
        ],
        scratch_shapes=[pltpu.VMEM((_K, _BLK), jnp.float32)],
    )(cand, blk)


def _take16(v, idx):
    return lax.gather(
        v, idx[:, None],
        lax.GatherDimensionNumbers(
            offset_dims=(), collapsed_slice_dims=(0,), start_index_map=(0,)),
        (1,), mode=lax.GatherScatterMode.PROMISE_IN_BOUNDS)


def _k5_body(vals_hbm, idx_hbm, atoms_hbm, out_hbm,
             vals_v, idx_v, aid_v, rows_v, acc_v, sem):
    batch = vals_hbm.shape[0]
    pad = _NS + _AS
    c = lax.axis_index("c")
    s = lax.axis_index("s")
    wid = s * 2 + c
    b = lax.bitwise_and(wid, batch - 1)

    pltpu.sync_copy(vals_hbm.at[b], vals_v)
    pltpu.sync_copy(idx_hbm.at[b], idx_v)
    for i in range(_K // 16):
        iv = idx_v[pl.ds(i * 16, 16)]
        aid_v[pl.ds(i * 16, 16)] = lax.shift_right_logical(iv, 14)
    pltpu.make_async_copy(atoms_hbm.at[aid_v], rows_v, sem).wait()

    zeros16 = jnp.zeros((16,), jnp.float32)

    def zbody(t, carry):
        acc_v[pl.ds(t * 16, 16)] = zeros16
        return carry
    lax.fori_loop(0, pad // 16, zbody, 0)

    lane = lax.iota(jnp.int32, 16)
    zseg = jnp.zeros((16,), jnp.float32)
    nseg = _AS // 16
    for chunk in range(_K // 16):
        v16 = vals_v[pl.ds(chunk * 16, 16)]
        i16 = idx_v[pl.ds(chunk * 16, 16)]
        s16 = lax.bitwise_and(i16, _NS - 1)
        for t in range(16):
            v = v16[t]
            samp = s16[t]
            k = chunk * 16 + t
            q16 = lax.bitwise_and(samp, ~15)
            rem = lax.bitwise_and(samp, 15)
            rot = lax.bitwise_and(lane - rem, 15)
            inlo = lane < rem

            def jbody(j, prev, k=k, v=v, q16=q16, rot=rot, inlo=inlo):
                cur = jnp.where(
                    j < nseg,
                    rows_v[k, pl.ds(lax.min(j, nseg - 1) * 16, 16)],
                    zseg)
                g_prev = _take16(prev, rot)
                g_cur = _take16(cur, rot)
                seg = jnp.where(inlo, g_prev, g_cur)
                start = q16 + j * 16
                acc_v[pl.ds(start, 16)] = acc_v[pl.ds(start, 16)] + v * seg
                return cur
            lax.fori_loop(0, nseg + 1, jbody, zseg)

    @pl.when(wid < batch)
    def _store():
        pltpu.sync_copy(acc_v.at[pl.ds(0, _NS)], out_hbm.at[wid])


def _k5(vals, idx, atoms2d):
    batch = vals.shape[0]
    pad = _NS + _AS
    f = pl.kernel(
        _k5_body,
        out_type=jax.ShapeDtypeStruct((batch, _NS), jnp.float32),
        mesh=plsc.VectorSubcoreMesh(core_axis_name="c", subcore_axis_name="s"),
        scratch_types=[
            pltpu.VMEM((_K,), jnp.float32),
            pltpu.VMEM((_K,), jnp.int32),
            pltpu.VMEM((_K,), jnp.int32),
            pltpu.VMEM((_K, _AS), jnp.float32),
            pltpu.VMEM((pad,), jnp.float32),
            pltpu.SemaphoreType.DMA,
        ],
    )
    return f(vals, idx, atoms2d)


def kernel(x, atoms):
    batch = x.shape[0]
    m = _k1(x)
    blk = _k2(m)
    xrows = x.reshape(batch, _NA * _NB, _BLK)
    cand = jnp.take_along_axis(xrows, blk.reshape(batch, _K)[:, :, None], axis=1)
    vals, gidx = _k4(cand, blk)
    vals = vals.reshape(batch, _K)
    gidx = gidx.reshape(batch, _K)
    atom_index = gidx // _NS
    sample_index = gidx % _NS
    atoms_b = jnp.broadcast_to(atoms, (batch, _NA, _AS))
    gathered = jnp.take_along_axis(atoms_b, atom_index[:, :, None], axis=1)
    scaled = gathered * vals[:, :, None]
    pos = sample_index[:, :, None] + jnp.arange(_AS)[None, None, :]
    b_idx = jnp.broadcast_to(jnp.arange(batch)[:, None, None], pos.shape)
    out = jnp.zeros((batch, _NS + _AS), dtype=x.dtype)
    out = out.at[b_idx, pos].add(scaled)
    return out[:, None, :_NS]

# --- scband reference (transcript-rebuilt; emitter-appended) ---
"""Pipeline reference for scband-sparse-audio-model-63763084476977 (READ-ONLY COPY).

The authoritative reference and input builder live on the scoring server;
editing this copy changes nothing except your own understanding.
"""

import jax, jax.numpy as jnp
import numpy as np

N_SAMPLES = 16384
N_ATOMS = 512
ATOM_SIZE = 512
TO_KEEP = 128
BATCH = 4


def setup_inputs(seed: int = 0) -> dict:
    key = jax.random.key(seed)
    k1, k2 = jax.random.split(key)
    x = jax.random.normal(k1, (BATCH, N_ATOMS, N_SAMPLES), dtype=jnp.float32)
    # learned parameter: atom dictionary, init uniform(-0.01, 0.01) as in torch module
    atoms = jax.random.uniform(k2, (1, N_ATOMS, ATOM_SIZE), dtype=jnp.float32, minval=-0.01, maxval=0.01)
    return {"x": x, "atoms": atoms}


def reference(x, atoms):
    batch = x.shape[0]
    # features.view(batch, -1)
    feats = x.reshape(batch, N_ATOMS * N_SAMPLES)
    # top-k over flattened (atom, sample) score map
    values, indices = jax.lax.top_k(feats, TO_KEEP)
    atom_index = indices // N_SAMPLES          # [batch, to_keep]
    sample_index = indices % N_SAMPLES         # [batch, to_keep]
    # atoms repeated across batch (broadcast instead of materializing repeat)
    atoms_b = jnp.broadcast_to(atoms, (batch, N_ATOMS, ATOM_SIZE))
    # gather selected atoms: [batch, to_keep, atom_size]
    gathered = jnp.take_along_axis(atoms_b, atom_index[:, :, None], axis=1)
    scaled = gathered * values[:, :, None]
    # scatter-add each scaled atom at its sample offset
    pos = sample_index[:, :, None] + jnp.arange(ATOM_SIZE)[None, None, :]  # [batch, to_keep, atom_size]
    b_idx = jnp.broadcast_to(jnp.arange(batch)[:, None, None], pos.shape)
    out = jnp.zeros((batch, N_SAMPLES + ATOM_SIZE), dtype=x.dtype)
    out = out.at[b_idx, pos].add(scaled)
    # trim overhang and add channel dim -> [batch, 1, n_samples]
    return out[:, None, :N_SAMPLES]

if __name__ == "__main__":
    import jax
    _d = setup_inputs()
    print(jax.jit(kernel)(*tuple(_d.values())))

</pallas_src>

<mosaic_0001>
module attributes {stable_mosaic.version = 14 : i64} {
  func.func @_k2_body(%arg0: i32, %arg1: memref<1x128x512xf32, #tpu.memory_space<vmem>>, %arg2: memref<1x1x128xi32, #tpu.memory_space<vmem>>, %arg3: memref<128x512xf32, #tpu.memory_space<vmem>>) attributes {dimension_semantics = [#tpu.dimension_semantics<arbitrary>], iteration_bounds = array<i64: 4>, scalar_prefetch = 0 : i64, scratch_operands = 1 : i64, tpu.core_type = #tpu.core_type<tc>, window_params = [{transform_indices = @transform_0, window_bounds = array<i64: 1, 128, 512>}, {transform_indices = @transform_1, window_bounds = array<i64: 1, 1, 128>}]} {
    %get3A = arith.constant 0 : index
    %get3A_0 = arith.constant 0 : index
    %get3A_1 = arith.constant 0 : index
    %get3A_2 = vector.load %arg1[%get3A, %get3A_0, %get3A_1] : memref<1x128x512xf32, #tpu.memory_space<vmem>>, vector<1x128x512xf32>
    %get3A_3 = vector.shape_cast %get3A_2 : vector<1x128x512xf32> to vector<128x512xf32>
    %swap3A = arith.constant 0 : index
    %swap3A_4 = arith.constant 0 : index
    %swap3A_5 = vector.load %arg3[%swap3A, %swap3A_4] : memref<128x512xf32, #tpu.memory_space<vmem>>, vector<128x512xf32>
    tpu.vector_store %arg3[%swap3A, %swap3A_4], %get3A_3 {strides = array<i32>} : memref<128x512xf32, #tpu.memory_space<vmem>>, vector<128x512xf32>,
    %iota3A = tpu.iota {dimensions = array<i32: 0>} : vector<128x512xi32>
    %iota3A_6 = tpu.iota {dimensions = array<i32: 1>} : vector<128x512xi32>
    %mul3A = arith.constant 128 : i32
    %mul3A_7 = vector.broadcast %mul3A : i32 to vector<128x512xi32>
    %mul3A_8 = arith.muli %iota3A_6, %mul3A_7 : vector<128x512xi32>
    %add3A = arith.addi %mul3A_8, %iota3A : vector<128x512xi32>
    %iota3A_9 = tpu.iota {dimensions = array<i32: 1>} : vector<1x128xi32>
    %broadcast_in_dim3A = arith.constant 0 : i32
    %broadcast_in_dim3A_10 = vector.broadcast %broadcast_in_dim3A : i32 to vector<1x128xi32>
    %scan3A = arith.constant 0 : i32
    %scan3A_11 = arith.constant 128 : i32
    %scan3A_12 = arith.addi %scan3A, %scan3A_11 : i32
    %scan3A_13 = arith.constant 1 : i32
    %scan3A_14 = scf.for %scan3A_22 = %scan3A to %scan3A_12 step %scan3A_13 iter_args(%scan3A_23 = %broadcast_in_dim3A_10) -> (vector<1x128xi32>)  : i32 {
      %get3A_24 = arith.constant 0 : index
      %get3A_25 = arith.constant 0 : index
      %get3A_26 = vector.load %arg3[%get3A_24, %get3A_25] : memref<128x512xf32, #tpu.memory_space<vmem>>, vector<128x512xf32>
      %reduce_max3A = vector.shape_cast %get3A_26 : vector<128x512xf32> to vector<1x128x512xf32>
      %reduce_max3A_27 = arith.constant dense<0xFF800000> : vector<1xf32>
      %reduce_max3A_28 = vector.multi_reduction <maximumf>, %reduce_max3A, %reduce_max3A_27 [1, 2] : vector<1x128x512xf32> to vector<1xf32>
      %reduce_max3A_29 = vector.shape_cast %reduce_max3A_28 : vector<1xf32> to vector<1x1x1xf32>
      %reduce_max3A_30 = vector.extract %reduce_max3A_29[0, 0, 0] : f32 from vector<1x1x1xf32>
      %eq3A = vector.broadcast %reduce_max3A_30 : f32 to vector<128x512xf32>
      %eq3A_31 = arith.cmpf oeq, %get3A_26, %eq3A : vector<128x512xf32>
      %jit3A = arith.constant 1073741824 : i32
      %broadcast_in_dim3A_32 = vector.broadcast %jit3A : i32 to vector<128x512xi32>
      %select_n3A = arith.select %eq3A_31, %add3A, %broadcast_in_dim3A_32 : vector<128x512xi1>, vector<128x512xi32>
      %reduce_min3A = vector.shape_cast %select_n3A : vector<128x512xi32> to vector<1x128x512xi32>
      %reduce_min3A_33 = arith.constant dense<2147483647> : vector<1xi32>
      %reduce_min3A_34 = vector.multi_reduction <minsi>, %reduce_min3A, %reduce_min3A_33 [1, 2] : vector<1x128x512xi32> to vector<1xi32>
      %reduce_min3A_35 = vector.shape_cast %reduce_min3A_34 : vector<1xi32> to vector<1x1x1xi32>
      %reduce_min3A_36 = vector.extract %reduce_min3A_35[0, 0, 0] : i32 from vector<1x1x1xi32>
      %eq3A_37 = vector.broadcast %reduce_min3A_36 : i32 to vector<128x512xi32>
      %eq3A_38 = arith.cmpi eq, %add3A, %eq3A_37 : vector<128x512xi32>
      %jit3A_39 = arith.constant 0xFF800000 : f32
      %broadcast_in_dim3A_40 = vector.broadcast %jit3A_39 : f32 to vector<128x512xf32>
      %select_n3A_41 = arith.select %eq3A_38, %broadcast_in_dim3A_40, %get3A_26 : vector<128x512xi1>, vector<128x512xf32>
      %swap3A_42 = arith.constant 0 : index
      %swap3A_43 = arith.constant 0 : index
      %swap3A_44 = vector.load %arg3[%swap3A_42, %swap3A_43] : memref<128x512xf32, #tpu.memory_space<vmem>>, vector<128x512xf32>
      tpu.vector_store %arg3[%swap3A_42, %swap3A_43], %select_n3A_41 {strides = array<i32>} : memref<128x512xf32, #tpu.memory_space<vmem>>, vector<128x512xf32>,
      %eq3A_45 = vector.broadcast %scan3A_22 : i32 to vector<1x128xi32>
      %eq3A_46 = arith.cmpi eq, %iota3A_9, %eq3A_45 : vector<1x128xi32>
      %broadcast_in_dim3A_47 = vector.broadcast %reduce_min3A_36 : i32 to vector<1x128xi32>
      %select_n3A_48 = arith.select %eq3A_46, %broadcast_in_dim3A_47, %scan3A_23 : vector<1x128xi1>, vector<1x128xi32>
      scf.yield %select_n3A_48 : vector<1x128xi32>
    }
    %scan3A_15 = arith.constant 128 : i32
    %swap3A_16 = arith.constant 0 : index
    %swap3A_17 = arith.constant 0 : index
    %swap3A_18 = arith.constant 0 : index
    %swap3A_19 = vector.load %arg2[%swap3A_16, %swap3A_17, %swap3A_18] : memref<1x1x128xi32, #tpu.memory_space<vmem>>, vector<1x1x128xi32>
    %swap3A_20 = vector.shape_cast %swap3A_19 : vector<1x1x128xi32> to vector<1x128xi32>
    %swap3A_21 = vector.shape_cast %scan3A_14 : vector<1x128xi32> to vector<1x1x128xi32>
    tpu.vector_store %arg2[%swap3A_16, %swap3A_17, %swap3A_18], %swap3A_21 {strides = array<i32>} : memref<1x1x128xi32, #tpu.memory_space<vmem>>, vector<1x1x128xi32>,
    return
  }
  func.func @transform_0(%arg0: i32) -> (i32, i32, i32) {
    %c0_i32 = arith.constant 0 : i32
    %c0_i32_0 = arith.constant 0 : i32
    %c0_i32_1 = arith.constant 0 : i32
    return %arg0, %c0_i32, %c0_i32_0 : i32, i32, i32
  }
  func.func @transform_1(%arg0: i32) -> (i32, i32, i32) {
    %c0_i32 = arith.constant 0 : i32
    %c0_i32_0 = arith.constant 0 : i32
    %c0_i32_1 = arith.constant 0 : i32
    return %arg0, %c0_i32, %c0_i32_0 : i32, i32, i32
  }
}

module attributes {stable_mosaic.version = 14 : i64} {
  func.func @_k1_body(%arg0: i32, %arg1: i32, %arg2: memref<1x512x2048xf32, #tpu.memory_space<vmem>>, %arg3: memref<1x16x512xf32, #tpu.memory_space<vmem>>) attributes {dimension_semantics = [#tpu.dimension_semantics<arbitrary>, #tpu.dimension_semantics<arbitrary>], iteration_bounds = array<i64: 4, 8>, scalar_prefetch = 0 : i64, scratch_operands = 0 : i64, tpu.core_type = #tpu.core_type<tc>, window_params = [{transform_indices = @transform_0, window_bounds = array<i64: 1, 512, 2048>}, {transform_indices = @transform_1, window_bounds = array<i64: 1, 16, 512>}]} {
    %get3A = arith.constant 0 : index
    %get3A_0 = arith.constant 0 : index
    %get3A_1 = arith.constant 0 : index
    %get3A_2 = vector.load %arg2[%get3A, %get3A_0, %get3A_1] : memref<1x512x2048xf32, #tpu.memory_space<vmem>>, vector<1x512x2048xf32>
    %get3A_3 = vector.shape_cast %get3A_2 : vector<1x512x2048xf32> to vector<512x2048xf32>
    %reshape3A = vector.shape_cast %get3A_3 : vector<512x2048xf32> to vector<512x16x128xf32>
    %reduce_max3A = arith.constant dense<0xFF800000> : vector<512x16xf32>
    %reduce_max3A_4 = vector.multi_reduction <maximumf>, %reshape3A, %reduce_max3A [2] : vector<512x16x128xf32> to vector<512x16xf32>
    %transpose3A = tpu.transpose %reduce_max3A_4, [1, 0] : vector<512x16xf32> -> vector<16x512xf32>
    %swap3A = arith.constant 0 : index
    %swap3A_5 = arith.constant 0 : index
    %swap3A_6 = arith.constant 0 : index
    %swap3A_7 = vector.load %arg3[%swap3A, %swap3A_5, %swap3A_6] : memref<1x16x512xf32, #tpu.memory_space<vmem>>, vector<1x16x512xf32>
    %swap3A_8 = vector.shape_cast %swap3A_7 : vector<1x16x512xf32> to vector<16x512xf32>
    %swap3A_9 = vector.shape_cast %transpose3A : vector<16x512xf32> to vector<1x16x512xf32>
    tpu.vector_store %arg3[%swap3A, %swap3A_5, %swap3A_6], %swap3A_9 {strides = array<i32>} : memref<1x16x512xf32, #tpu.memory_space<vmem>>, vector<1x16x512xf32>,
    return
  }
  func.func @transform_0(%arg0: i32, %arg1: i32) -> (i32, i32, i32) {
    %c0_i32 = arith.constant 0 : i32
    %c0_i32_0 = arith.constant 0 : i32
    return %arg0, %c0_i32, %arg1 : i32, i32, i32
  }
  func.func @transform_1(%arg0: i32, %arg1: i32) -> (i32, i32, i32) {
    %c0_i32 = arith.constant 0 : i32
    %c0_i32_0 = arith.constant 0 : i32
    return %arg0, %arg1, %c0_i32 : i32, i32, i32
  }
}

module attributes {stable_mosaic.version = 14 : i64} {
  func.func @_k4_body(%arg0: i32, %arg1: memref<1x128x128xf32, #tpu.memory_space<vmem>>, %arg2: memref<1x1x128xi32, #tpu.memory_space<vmem>>, %arg3: memref<1x1x128xf32, #tpu.memory_space<vmem>>, %arg4: memref<1x1x128xi32, #tpu.memory_space<vmem>>, %arg5: memref<128x128xf32, #tpu.memory_space<vmem>>) attributes {dimension_semantics = [#tpu.dimension_semantics<arbitrary>], iteration_bounds = array<i64: 4>, scalar_prefetch = 0 : i64, scratch_operands = 1 : i64, tpu.core_type = #tpu.core_type<tc>, window_params = [{transform_indices = @transform_0, window_bounds = array<i64: 1, 128, 128>}, {transform_indices = @transform_1, window_bounds = array<i64: 1, 1, 128>}, {transform_indices = @transform_2, window_bounds = array<i64: 1, 1, 128>}, {transform_indices = @transform_3, window_bounds = array<i64: 1, 1, 128>}]} {
    %get3A = arith.constant 0 : index
    %get3A_0 = arith.constant 0 : index
    %get3A_1 = arith.constant 0 : index
    %get3A_2 = vector.load %arg1[%get3A, %get3A_0, %get3A_1] : memref<1x128x128xf32, #tpu.memory_space<vmem>>, vector<1x128x128xf32>
    %get3A_3 = vector.shape_cast %get3A_2 : vector<1x128x128xf32> to vector<128x128xf32>
    %swap3A = arith.constant 0 : index
    %swap3A_4 = arith.constant 0 : index
    %swap3A_5 = vector.load %arg5[%swap3A, %swap3A_4] : memref<128x128xf32, #tpu.memory_space<vmem>>, vector<128x128xf32>
    tpu.vector_store %arg5[%swap3A, %swap3A_4], %get3A_3 {strides = array<i32>} : memref<128x128xf32, #tpu.memory_space<vmem>>, vector<128x128xf32>,
    %iota3A = tpu.iota {dimensions = array<i32: 0>} : vector<128x128xi32>
    %iota3A_6 = tpu.iota {dimensions = array<i32: 1>} : vector<128x128xi32>
    %mul3A = arith.constant 128 : i32
    %mul3A_7 = vector.broadcast %mul3A : i32 to vector<128x128xi32>
    %mul3A_8 = arith.muli %iota3A, %mul3A_7 : vector<128x128xi32>
    %add3A = arith.addi %mul3A_8, %iota3A_6 : vector<128x128xi32>
    %iota3A_9 = tpu.iota {dimensions = array<i32: 1>} : vector<1x128xi32>
    %get3A_10 = arith.constant 0 : index
    %get3A_11 = arith.constant 0 : index
    %get3A_12 = arith.constant 0 : index
    %get3A_13 = vector.load %arg2[%get3A_10, %get3A_11, %get3A_12] : memref<1x1x128xi32, #tpu.memory_space<vmem>>, vector<1x1x128xi32>
    %get3A_14 = vector.shape_cast %get3A_13 : vector<1x1x128xi32> to vector<1x128xi32>
    %broadcast_in_dim3A = arith.constant 0.000000e+00 : f32
    %broadcast_in_dim3A_15 = vector.broadcast %broadcast_in_dim3A : f32 to vector<1x128xf32>
    %broadcast_in_dim3A_16 = arith.constant 0 : i32
    %broadcast_in_dim3A_17 = vector.broadcast %broadcast_in_dim3A_16 : i32 to vector<1x128xi32>
    %scan3A = arith.constant 0 : i32
    %scan3A_18 = arith.constant 128 : i32
    %scan3A_19 = arith.addi %scan3A, %scan3A_18 : i32
    %scan3A_20 = arith.constant 1 : i32
    %scan3A_21:2 = scf.for %scan3A_35 = %scan3A to %scan3A_19 step %scan3A_20 iter_args(%scan3A_36 = %broadcast_in_dim3A_15, %scan3A_37 = %broadcast_in_dim3A_17) -> (vector<1x128xf32>, vector<1x128xi32>)  : i32 {
      %get3A_38 = arith.constant 0 : index
      %get3A_39 = arith.constant 0 : index
      %get3A_40 = vector.load %arg5[%get3A_38, %get3A_39] : memref<128x128xf32, #tpu.memory_space<vmem>>, vector<128x128xf32>
      %reduce_max3A = vector.shape_cast %get3A_40 : vector<128x128xf32> to vector<1x128x128xf32>
      %reduce_max3A_41 = arith.constant dense<0xFF800000> : vector<1xf32>
      %reduce_max3A_42 = vector.multi_reduction <maximumf>, %reduce_max3A, %reduce_max3A_41 [1, 2] : vector<1x128x128xf32> to vector<1xf32>
      %reduce_max3A_43 = vector.shape_cast %reduce_max3A_42 : vector<1xf32> to vector<1x1x1xf32>
      %reduce_max3A_44 = vector.extract %reduce_max3A_43[0, 0, 0] : f32 from vector<1x1x1xf32>
      %eq3A = vector.broadcast %reduce_max3A_44 : f32 to vector<128x128xf32>
      %eq3A_45 = arith.cmpf oeq, %get3A_40, %eq3A : vector<128x128xf32>
      %jit3A = arith.constant 1073741824 : i32
      %broadcast_in_dim3A_46 = vector.broadcast %jit3A : i32 to vector<128x128xi32>
      %select_n3A = arith.select %eq3A_45, %add3A, %broadcast_in_dim3A_46 : vector<128x128xi1>, vector<128x128xi32>
      %reduce_min3A = vector.shape_cast %select_n3A : vector<128x128xi32> to vector<1x128x128xi32>
      %reduce_min3A_47 = arith.constant dense<2147483647> : vector<1xi32>
      %reduce_min3A_48 = vector.multi_reduction <minsi>, %reduce_min3A, %reduce_min3A_47 [1, 2] : vector<1x128x128xi32> to vector<1xi32>
      %reduce_min3A_49 = vector.shape_cast %reduce_min3A_48 : vector<1xi32> to vector<1x1x1xi32>
      %reduce_min3A_50 = vector.extract %reduce_min3A_49[0, 0, 0] : i32 from vector<1x1x1xi32>
      %jit3A_51 = arith.constant 128 : i32
      %div3A = arith.divsi %reduce_min3A_50, %jit3A_51 : i32
      %sign3A = arith.constant 0 : i32
      %sign3A_52 = arith.cmpi sgt, %reduce_min3A_50, %sign3A : i32
      %sign3A_53 = arith.extui %sign3A_52 : i1 to i32
      %sign3A_54 = arith.constant 0 : i32
      %sign3A_55 = arith.cmpi slt, %reduce_min3A_50, %sign3A_54 : i32
      %sign3A_56 = arith.extui %sign3A_55 : i1 to i32
      %sign3A_57 = arith.subi %sign3A_53, %sign3A_56 : i32
      %sign3A_58 = arith.constant 0 : i32
      %sign3A_59 = arith.cmpi sgt, %jit3A_51, %sign3A_58 : i32
      %sign3A_60 = arith.extui %sign3A_59 : i1 to i32
      %sign3A_61 = arith.constant 0 : i32
      %sign3A_62 = arith.cmpi slt, %jit3A_51, %sign3A_61 : i32
      %sign3A_63 = arith.extui %sign3A_62 : i1 to i32
      %sign3A_64 = arith.subi %sign3A_60, %sign3A_63 : i32
      %ne3A = arith.cmpi ne, %sign3A_57, %sign3A_64 : i32
      %rem3A = arith.remsi %reduce_min3A_50, %jit3A_51 : i32
      %ne3A_65 = arith.constant 0 : i32
      %ne3A_66 = arith.cmpi ne, %rem3A, %ne3A_65 : i32
      %and3A = arith.andi %ne3A, %ne3A_66 : i1
      %sub3A = arith.constant 1 : i32
      %sub3A_67 = arith.subi %div3A, %sub3A : i32
      %select_n3A_68 = arith.select %and3A, %sub3A_67, %div3A : i32
      %mul3A_69 = arith.constant 128 : i32
      %mul3A_70 = arith.muli %select_n3A_68, %mul3A_69 : i32
      %sub3A_71 = arith.subi %reduce_min3A_50, %mul3A_70 : i32
      %eq3A_72 = vector.broadcast %select_n3A_68 : i32 to vector<1x128xi32>
      %eq3A_73 = arith.cmpi eq, %iota3A_9, %eq3A_72 : vector<1x128xi32>
      %jit3A_74 = arith.constant 1073741824 : i32
      %broadcast_in_dim3A_75 = vector.broadcast %jit3A_74 : i32 to vector<1x128xi32>
      %select_n3A_76 = arith.select %eq3A_73, %get3A_14, %broadcast_in_dim3A_75 : vector<1x128xi1>, vector<1x128xi32>
      %reduce_min3A_77 = vector.shape_cast %select_n3A_76 : vector<1x128xi32> to vector<1x1x128xi32>
      %reduce_min3A_78 = arith.constant dense<2147483647> : vector<1xi32>
      %reduce_min3A_79 = vector.multi_reduction <minsi>, %reduce_min3A_77, %reduce_min3A_78 [1, 2] : vector<1x1x128xi32> to vector<1xi32>
      %reduce_min3A_80 = vector.shape_cast %reduce_min3A_79 : vector<1xi32> to vector<1x1x1xi32>
      %reduce_min3A_81 = vector.extract %reduce_min3A_80[0, 0, 0] : i32 from vector<1x1x1xi32>
      %mul3A_82 = arith.constant 128 : i32
      %mul3A_83 = arith.muli %reduce_min3A_81, %mul3A_82 : i32
      %add3A_84 = arith.addi %mul3A_83, %sub3A_71 : i32
      %eq3A_85 = vector.broadcast %reduce_min3A_50 : i32 to vector<128x128xi32>
      %eq3A_86 = arith.cmpi eq, %add3A, %eq3A_85 : vector<128x128xi32>
      %jit3A_87 = arith.constant 0xFF800000 : f32
      %broadcast_in_dim3A_88 = vector.broadcast %jit3A_87 : f32 to vector<128x128xf32>
      %select_n3A_89 = arith.select %eq3A_86, %broadcast_in_dim3A_88, %get3A_40 : vector<128x128xi1>, vector<128x128xf32>
      %swap3A_90 = arith.constant 0 : index
      %swap3A_91 = arith.constant 0 : index
      %swap3A_92 = vector.load %arg5[%swap3A_90, %swap3A_91] : memref<128x128xf32, #tpu.memory_space<vmem>>, vector<128x128xf32>
      tpu.vector_store %arg5[%swap3A_90, %swap3A_91], %select_n3A_89 {strides = array<i32>} : memref<128x128xf32, #tpu.memory_space<vmem>>, vector<128x128xf32>,
      %eq3A_93 = vector.broadcast %scan3A_35 : i32 to vector<1x128xi32>
      %eq3A_94 = arith.cmpi eq, %iota3A_9, %eq3A_93 : vector<1x128xi32>
      %broadcast_in_dim3A_95 = vector.broadcast %reduce_max3A_44 : f32 to vector<1x128xf32>
      %select_n3A_96 = arith.select %eq3A_94, %broadcast_in_dim3A_95, %scan3A_36 : vector<1x128xi1>, vector<1x128xf32>
      %eq3A_97 = vector.broadcast %scan3A_35 : i32 to vector<1x128xi32>
      %eq3A_98 = arith.cmpi eq, %iota3A_9, %eq3A_97 : vector<1x128xi32>
      %broadcast_in_dim3A_99 = vector.broadcast %add3A_84 : i32 to vector<1x128xi32>
      %select_n3A_100 = arith.select %eq3A_98, %broadcast_in_dim3A_99, %scan3A_37 : vector<1x128xi1>, vector<1x128xi32>
      scf.yield %select_n3A_96, %select_n3A_100 : vector<1x128xf32>, vector<1x128xi32>
    }
    %scan3A_22 = arith.constant 128 : i32
    %swap3A_23 = arith.constant 0 : index
    %swap3A_24 = arith.constant 0 : index
    %swap3A_25 = arith.constant 0 : index
    %swap3A_26 = vector.load %arg3[%swap3A_23, %swap3A_24, %swap3A_25] : memref<1x1x128xf32, #tpu.memory_space<vmem>>, vector<1x1x128xf32>
    %swap3A_27 = vector.shape_cast %swap3A_26 : vector<1x1x128xf32> to vector<1x128xf32>
    %swap3A_28 = vector.shape_cast %scan3A_21#0 : vector<1x128xf32> to vector<1x1x128xf32>
    tpu.vector_store %arg3[%swap3A_23, %swap3A_24, %swap3A_25], %swap3A_28 {strides = array<i32>} : memref<1x1x128xf32, #tpu.memory_space<vmem>>, vector<1x1x128xf32>,
    %swap3A_29 = arith.constant 0 : index
    %swap3A_30 = arith.constant 0 : index
    %swap3A_31 = arith.constant 0 : index
    %swap3A_32 = vector.load %arg4[%swap3A_29, %swap3A_30, %swap3A_31] : memref<1x1x128xi32, #tpu.memory_space<vmem>>, vector<1x1x128xi32>
    %swap3A_33 = vector.shape_cast %swap3A_32 : vector<1x1x128xi32> to vector<1x128xi32>
    %swap3A_34 = vector.shape_cast %scan3A_21#1 : vector<1x128xi32> to vector<1x1x128xi32>
    tpu.vector_store %arg4[%swap3A_29, %swap3A_30, %swap3A_31], %swap3A_34 {strides = array<i32>} : memref<1x1x128xi32, #tpu.memory_space<vmem>>, vector<1x1x128xi32>,
    return
  }
  func.func @transform_0(%arg0: i32) -> (i32, i32, i32) {
    %c0_i32 = arith.constant 0 : i32
    %c0_i32_0 = arith.constant 0 : i32
    %c0_i32_1 = arith.constant 0 : i32
    return %arg0, %c0_i32, %c0_i32_0 : i32, i32, i32
  }
  func.func @transform_1(%arg0: i32) -> (i32, i32, i32) {
    %c0_i32 = arith.constant 0 : i32
    %c0_i32_0 = arith.constant 0 : i32
    %c0_i32_1 = arith.constant 0 : i32
    return %arg0, %c0_i32, %c0_i32_0 : i32, i32, i32
  }
  func.func @transform_2(%arg0: i32) -> (i32, i32, i32) {
    %c0_i32 = arith.constant 0 : i32
    %c0_i32_0 = arith.constant 0 : i32
    %c0_i32_1 = arith.constant 0 : i32
    return %arg0, %c0_i32, %c0_i32_0 : i32, i32, i32
  }
  func.func @transform_3(%arg0: i32) -> (i32, i32, i32) {
    %c0_i32 = arith.constant 0 : i32
    %c0_i32_0 = arith.constant 0 : i32
    %c0_i32_1 = arith.constant 0 : i32
    return %arg0, %c0_i32, %c0_i32_0 : i32, i32, i32
  }
}

</mosaic_0001>

<sc_bundles>
// kernel: scatter_offload_async_start
scs
__scs_entry_jumppad:
0x0: {  	(pc) =	sbr.rel $0x88, $3  }
0x1: {  	(tag) =	ssettag $0x0;
	lr =	simm.s32 $0x1  }
0x2: {  	[smem:$0x3F9F] =	sst lr;
	_ =	strace $0xD0000000  }
0x3: {  	_ = 	snop  }
0x4: {  	_ = 	snop  }
0x5: {  	_ = 	snop  }
0x6: {  	_ = 	snop  }
0x7: {  	_ = 	snop  }
__scs_overlays_trampoline_lowered:
0x8: {  	[smem:$0x3FAE] =	sst s0  }
0x9: {  	[smem:$0x3FAF] =	sst s1  }
0xa: {  	[smem:$0x3FB0] =	sst s2  }
0xb: {  	[smem:$0x3FB1] =	sst s3  }
0xc: {  	[smem:$0x3FB2] =	sst s4  }
0xd: {  	[smem:$0x3FB3] =	sst s5  }
0xe: {  	[smem:$0x3FB4] =	sst s6  }
0xf: {  	[smem:$0x3FB5] =	sst s7  }
0x10: {  	[smem:$0x3FB6] =	sst s8  }
0x11: {  	[smem:$0x3FB7] =	sst s9;
	s0 =	simm.s32 @!p0 $0x0  }
0x12: {  	s1 =	sld [smem:$0x3F9D];
	s0 =	simm.s32 @p0 $0x1  }
0x13: {  	[smem:$0x3FB8] =	sst s0;
	s0 =	simm.s32 @!p1 $0x0  }
0x14: {  	s2 =	sld [smem:$0x3F9C];
	s0 =	simm.s32 @p1 $0x1  }
0x15: {  	[smem:$0x3FB9] =	sst s0;
	s0 =	simm.s32 @!p2 $0x0  }
0x16: {  	s3 =	sld [smem:$0x3FDB];
	s0 =	simm.s32 @p2 $0x1  }
0x17: {  	s4 =	simm.s32 $0x1BF5;
	[smem:$0x3FBB] =	sst s0  }
0x18: {  	s0 =	sld [smem:$0x3F9E];
	_ =	swait.ge [sflag:s4], $0x0  }
0x19: {  	s7 =	sld [smem:$0x3F9F]  }
0x1a: {  	s8 =	sadd.s32 $0xFFFFE003, lr  }
0x1b: {  	s9 =	sadd.s32 $0xFFFFFEF7, lr;
	s5 =	simm.s32 $0xFFFFFFFF;
	p2 =	slt.u32 s8, $0xFFFFF086  }
0x1c: {  	p1 =	slt.u32 s9, $0xF7A;
	s5 =	simm.s32 @!p2 $0x0  }
0x1d: {  	s5 =	simm.s32 @p1 $0x1;
	p0 =	seq.s32 s7, s2  }
0x1e: {  	s7 =	smul.u32 @!p0 $0xF7A, s2;
	p2 =	seq.s32 @!p0 s5, $0x0  }
0x1f: {  	s9 =	smul.u32 $0xF7A, s1;
	s8 =	simm.s32 @!p0 $0x1BF5;
	p2 =	por !p2, p0  }
0x20: {  	[sflag:s8] =	ssyncset.s32 @!p0 $0xFFFFF086;
	s6 =	sadd.s32 @!p0 s3, s7;
	s7 =	simm.s32 @!p0 $0x108  }
0x21: {  	s3 =	sadd.s32 s3, s9;
	s6 =	sadd.s32 @!p0 $0x88, s6;
	s7 =	simm.s32 @p2 $0x1082  }
0x22: {  	[simem:s7], [sflag:s8] =	dma.local @!p0 [hbm:s6], $0xF7A  }
0x23: {  	s9 =	sor.u32 $0xD0000000, s2;
	s6 =	simm.s32 $0x108;
	_ =	swait.ge @!p0 [sflag:s8], $0x0  }
0x24: {  	s3 =	sadd.s32 $0x88, s3;
	s6 =	simm.s32 @!p1 $0x1082;
	[sflag:s4] =	ssyncset.s32 $0xFFFFF086  }
0x25: {  	[simem:s6], [sflag:s4] =	dma.local [hbm:s3], $0xF7A  }
0x26: {  	[smem:$0x3F9F] =	sst s1;
	(tag) =	ssettag s2;
	_ =	strace s9  }
0x27: {  	s1 =	sld [smem:$0x3FAF]  }
0x28: {  	s2 =	sld [smem:$0x3FB0]  }
0x29: {  	s4 =	sld [smem:$0x3FB2]  }
0x2a: {  	p0 =	seq.s32 s5, $0x0;
	s5 =	sld [smem:$0x3FB3]  }
0x2b: {  	s6 =	sld [smem:$0x3FB4]  }
0x2c: {  	s7 =	sld [smem:$0x3FB5]  }
0x2d: {  	s3 =	simm.s32 $0x108;
	s8 =	sld [smem:$0x3FB6]  }
0x2e: {  	s3 =	simm.s32 @!p0 $0x1082;
	s9 =	sld [smem:$0x3FB7]  }
0x2f: {  	lr =	sadd.s32 s0, s3;
	s0 =	sld [smem:$0x3FAE]  }
0x30: {  	s3 =	sld [smem:$0x3FB1]  }
0x31: {  	[smem:$0x3FBA] =	sst s10  }
0x32: {  	s10 =	sld [smem:$0x3FB8];
	_ =	sdelay $0x3  }
0x33: {  	p0 =	seq.s32 s10, $0x1;
	s10 =	sld [smem:$0x3FBA];
	_ =	sdelay $0x3  }
0x34: {  	[smem:$0x3FBA] =	sst s10  }
0x35: {  	s10 =	sld [smem:$0x3FB9];
	_ =	sdelay $0x3  }
0x36: {  	p1 =	seq.s32 s10, $0x1;
	s10 =	sld [smem:$0x3FBA];
	_ =	sdelay $0x3  }
0x37: {  	[smem:$0x3FBA] =	sst s10  }
0x38: {  	s10 =	sld [smem:$0x3FBB]  }
0x39: {  	_ = 	snop;
	(pc) =	sbr.ind lr, $3  }
0x3a: {  	_ = 	snop  }
0x3b: {  	_ = 	snop  }
0x3c: {  	p2 =	seq.s32 s10, $0x1;
	s10 =	sld [smem:$0x3FBA]  }
0x3d: {  	_ =	shalt  }
0x3e: {  	_ =	shalt  }
0x3f: {  	_ =	shalt  }
0x40: {  	_ =	shalt  }
0x41: {  	_ =	shalt  }
0x42: {  	_ =	shalt  }
0x43: {  	_ =	shalt  }
0x44: {  	_ =	shalt  }
0x45: {  	_ =	shalt  }
0x46: {  	_ =	shalt  }
0x47: {  	_ =	shalt  }
0x48: {  	_ =	shalt  }
0x49: {  	_ =	shalt  }
0x4a: {  	_ =	shalt  }
0x4b: {  	_ =	shalt  }
0x4c: {  	_ =	shalt  }
0x4d: {  	_ =	shalt  }
0x4e: {  	_ =	shalt  }
0x4f: {  	_ =	shalt  }
0x50: {  	_ =	shalt  }
0x51: {  	_ =	shalt  }
0x52: {  	_ =	shalt  }
0x53: {  	_ =	shalt  }
0x54: {  	_ =	shalt  }
0x55: {  	_ =	shalt  }
0x56: {  	_ =	shalt  }
0x57: {  	_ =	shalt  }
0x58: {  	_ =	shalt  }
0x59: {  	_ =	shalt  }
0x5a: {  	_ =	shalt  }
0x5b: {  	_ =	shalt  }
0x5c: {  	_ =	shalt  }
0x5d: {  	_ =	shalt  }
0x5e: {  	_ =	shalt  }
0x5f: {  	_ =	shalt  }
0x60: {  	_ =	shalt  }
0x61: {  	_ =	shalt  }
0x62: {  	_ =	shalt  }
0x63: {  	_ =	shalt  }
0x64: {  	_ =	shalt  }
0x65: {  	_ =	shalt  }
0x66: {  	_ =	shalt  }
0x67: {  	_ =	shalt  }
0x68: {  	_ =	shalt  }
0x69: {  	_ =	shalt  }
0x6a: {  	_ =	shalt  }
0x6b: {  	_ =	shalt  }
0x6c: {  	_ =	shalt  }
0x6d: {  	_ =	shalt  }
0x6e: {  	_ =	shalt  }
0x6f: {  	_ =	shalt  }
0x70: {  	_ =	shalt  }
0x71: {  	_ =	shalt  }
0x72: {  	_ =	shalt  }
0x73: {  	_ =	shalt  }
0x74: {  	_ =	shalt  }
0x75: {  	_ =	shalt  }
0x76: {  	_ =	shalt  }
0x77: {  	_ =	shalt  }
0x78: {  	_ =	shalt  }
0x79: {  	_ =	shalt  }
0x7a: {  	_ =	shalt  }
0x7b: {  	_ =	shalt  }
0x7c: {  	_ =	shalt  }
0x7d: {  	_ =	shalt  }
0x7e: {  	_ =	shalt  }
0x7f: {  	_ =	shalt  }
0x80: {  	_ =	shalt  }
0x81: {  	_ =	shalt  }
0x82: {  	_ =	shalt  }
0x83: {  	_ =	shalt  }
0x84: {  	_ =	shalt  }
0x85: {  	_ =	shalt  }
0x86: {  	_ =	shalt  }
0x87: {  	_ =	shalt  }
.Lfunc_end0:
.L_simem_size_0:
called_computation_lowered:
.L_overlay_start_0:
0x88: {  	s0 =	sld [smem:$0x3FD9]  }
0x89: {  	s1 =	sld [smem:$0x3FFE];
	_ =	sdelay $0x3  }
0x8a: {  	s0 =	sadd.s32 s1, s0  }
0x8b: {  	[smem:$0x3FC6] =	sst s0  }
0x8c: {  	_ = 	snop  }
0x8d: {  	(tm) =	ssettm $0x1  }
0x8e: {  	s15 =	sld [smem:$0x3FFB];
	_ =	sdelay $0x3  }
0x8f: {  	_ =	strace s15  }
0x90: {  	s0 =	sld [smem:$0x3FFC];
	_ =	sdelay $0x3  }
0x91: {  	_ =	strace s0  }
0x92: {  	s0 =	sld [smem:$0x3FFD];
	_ =	sdelay $0x3  }
0x93: {  	_ =	strace s0  }
0x94: {  	_ =	strace $0x8FFFFFFF  }
0x95: {  	s16 =	sld [smem:$0x3FDB];
	_ =	sdelay $0x1  }
0x96: {  	s17 =	simm.s32 $_scs_section_size  }
0x97: {  	s2 =	simm.s32 $_size__tile_overlayer_lowered;
	s3 =	simm.s32 $_tile_overlayer_lowered  }
0x98: {  	s20 =	simm.s32 $0x1BFF;
	s19 =	sshll.u32 s3, $0x1;
	s0 =	sadd.s32 s17, s16  }
0x99: {  	s4 =	simm.s32 $0x0;
	s18 =	sshll.u32 s2, $0x1;
	s2 =	sadd.s32 s19, s0  }
0x9a: {  	[timem:s4], [sflag:s20] =	dma.local [hbm:s2], s18  }
0x9b: {  	_ =	swait.ge [sflag:s20], s18  }
0x9c: {  	s1 =	ssub.s32 $0x0, s18;
	[sflag:s20] =	ssyncset.done $0x0  }
0x9d: {  	[sflag:s20] =	ssyncadd.s32 s1;
	_ =	sdelay $0x1  }
0x9e: {  	s21 =	simm.s32 $0x1B8B  }
0x9f: {  	_ =	swait.ge [sflag:s21], $0x1  }
0xa0: {  	[sflag:s21] =	ssyncset.done $0x0  }
0xa1: {  	s23 =	simm.s32 $0x1B8E;
	s22 =	sld [smem:$0x3FFE];
	[sflag:s21] =	ssyncadd.s32 $0xFFFFFFFF  }
0xa2: {  	s24 =	simm.s32 $execute0_lowered;
	[smem:$0x3FD2] =	sst s23  }
0xa3: {  	s2 =	sshll.u32 s24, $0x1;
	_ =	strace $0x80000046;
	[dreg:$0x1] =	wrdreg $0xFFFFFFFF  }
0xa4: {  	s25 =	simm.s32 $_size_execute0_lowered;
	s0 =	sadd.s32 s0, s2;
	[dreg:$0x0] =	wrdreg $0x0  }
0xa5: {  	s2 =	sshll.u32 s25, $0x1;
	[dreg:$0x2] =	wrdreg s0  }
0xa6: {  	[dreg:$0x3] =	wrdreg s2  }
0xa7: {  	[dreg:$0x4] =	wrdreg $0xC0  }
0xa8: {  	_ =	task [dreg:s4], $0x5FFFF  }
0xa9: {  	[dreg:$0x1] =	wrdreg $0xFFFFFFFF  }
0xaa: {  	[dreg:$0x0] =	wrdreg $0x60  }
0xab: {  	[dreg:$0x2] =	wrdreg s22  }
0xac: {  	[dreg:$0x3] =	wrdreg $0x9  }
0xad: {  	_ =	task.clear_ibuf [dreg:s4], $0x4FFFF;
	_ =	strace $0x90000046  }
0xae: {  	s26 =	simm.s32 $0x9;
	_ =	strace $0x80000048  }
0xaf: {  	_ =	swait.ge [sflag:s26], $0x1  }
0xb0: {  	[sflag:s26] =	ssyncadd.s32 $0xFFFFFFFF  }
0xb1: {  	_ =	strace $0x90000048  }
0xb2: {  	_ =	sfence  }
0xb3: {  	s28 =	sld [smem:$0x0];
	_ =	sdelay $0x1  }
0xb4: {  	s29 =	srdreg.scid  }
0xb5: {  	s30 =	sshll.u32 s29, $0xD;
	s31 =	sshrl.u32 s29, $0x2  }
0xb6: {  	s1 =	sand.u32 $0x1, s29;
	s2 =	sand.u32 $0x4000, s30;
	s0 =	sadd.s32 s31, s28  }
0xb7: {  	s1 =	sor.u32 s2, s1;
	s0 =	sshll.u32 s0, $0x11  }
0xb8: {  	s0 =	sor.u32 s0, s1  }
0xb9: {  	s0 =	sadd.s32 $0x8F2B, s0  }
0xba: {  	[sflag:s0] =	ssyncadd.remote.s32 $0x1  }
0xbb: {  	_ =	sfence.sel $0xFFFF  }
0xbc: {  	[dreg:$0x0] =	wrdreg $0xFFFFFFFF;
	(pc) =	sbr.abs _section_cstart, $3  }
0xbd: {  	[dreg:$0x1] =	wrdreg $0xFFFFFFFF  }
0xbe: {  	_ =	task.clear_ibuf [dreg:s4], $0x2FFFF;
	_ =	strace $0x9FFFFFFF  }
0xbf: {  	(tm) =	ssettm $0x7FFFFFFF  }
tec
execute0_lowered:
.L_overlay_start_1:
0x0: {  	(tag) =	ssettag $0x1  }
0x1: {  	s2 =	rddreg [dreg:$0x0];
	_ =	strace $0x80000047;
	s3 =	simm.s32 $0x1  }
0x2: {  	v1 =	vimm.s32 $0xFFFFFFFF;
	[sflag:s3] =	ssyncpa.u1 $0x0  }
0x3: {  	[tilespmem:$0x10] =	vst v1  }
0x4: {  	v0 =	vimm.f32 $0.0e+00;
	[tilespmem:$0x20] =	vst v1  }
0x5: {  	[tilespmem:$0x30] =	vst v0  }
0x6: {  	[tilespmem:$0x40] =	vst v0  }
0x7: {  	s0 =	simm.s32 $0x2;
	s4 =	stileid.u32;
	[tilespmem:$0x50] =	vst v0  }
0x8: {  	s6 =	simm.s32 $0x7;
	s8 =	simm.s32 $0x8;
	s31 =	simm.s32 $0x9;
	[tilespmem:$0x60] =	vst v1  }
0x9: {  	s14 =	simm.s32 $0x0;
	s15 =	simm.s32 $0x60F0;
	s16 =	simm.s32 $0xF0;
	[tilespmem:$0x70] =	vst v1  }
0xa: {  	p0 =	por $0x0, $0x0;
	s17 =	simm.s32 $0xFFFFC100;
	s18 =	simm.s32 $0xFFFFFFFE;
	[tilespmem:$0x80] =	vst v1  }
0xb: {  	s19 =	simm.s32 $0xF;
	s20 =	simm.s32 $0x30;
	s23 =	simm.s32 $0x0;
	v1 =	vimm.s32 $0x0;
	[tilespmem:$0xB0] =	vst v0  }
.Ltmp0:
0xc: {  	s21 =	simm.s32 $0x0;
	s1 =	sadd.s32 $0x10000, s2;
	[tilespmem:$0x90] =	vst v1;
	(pc) =	sbr.rel .LBB2_1-.Ltmp0, $4  }
0xd: {  	s5 =	sadd.s32 $0x8000, s2;
	s7 =	sshll.u32 s4, $0xE;
	[tilespmem:$0xA0] =	vst v1;
	[sflag:s0] =	ssyncpa.u1 $0x0  }
0xe: {  	s9 =	sshll.u32 s4, $0x1;
	s12 =	sshllo.u32 s4, $0x1;
	[sflag:s6] =	ssyncpa.u1 $0x0  }
0xf: {  	vm0 =	vmmov $0xffff;
	v2 =	vlaneseq.u32;
	s10 =	sadd.s32 $0x4000, s7;
	s11 =	sor.u32 $0x81, s9;
	[sflag:s8] =	ssyncpa.u1 $0x0  }
0x10: {  	vm1 =	vmxor vm1, vm1;
	vm2 =	vmmov $0x1;
	vm3 =	vcmask $0x3F3C;
	s13 =	sor.u32 $0x80, s9;
	s22 =	smov.u32 s7;
	[sflag:s31] =	ssyncpa.u1 $0x0  }
.LBB2_10:
0x11: {  	p1 =	slt.u32 s21, $0x3  }
0x12: {  	s0 =	simm.s32 @!p1 $0x2  }
0x13: {  	_ =	swait.ge @!p1 [sflag:s0], $0x2000  }
0x14: {  	[sflag:s0] =	ssyncset.done @!p1 $0x0  }
0x15: {  	[sflag:s0] =	ssyncadd.s32 @!p1 $0xFFFFE000;
	s0 =	simm.s32 @!p1 $0x9  }
0x16: {  	_ =	swait.ge @!p1 [sflag:s0], $0x10  }
0x17: {  	s21 =	sadd.s32 $0x1, s21;
	[sflag:s0] =	ssyncset.done @!p1 $0x0  }
0x18: {  	[sflag:s0] =	ssyncadd.s32 @!p1 $0xFFFFFFF0;
	p1 =	sne.s32 s21, $0x5  }
.Ltmp1:
0x19: {  	_ = 	snop;
	(pc) =	sbr.rel @!p1 .LBB2_11-.Ltmp1, $4  }
0x1a: {  	s23 =	sadd.s32 $0x2000, s22;
	s24 =	smov.u32 s7  }
0x1b: {  	s15 =	sadd.s32 $0x2000, s15;
	s16 =	sadd.s32 $0x2000, s16;
	p2 =	slt.s32 s23, s10  }
0x1c: {  	p0 =	por !p0, !p0;
	s17 =	sadd.s32 $0x2000, s17;
	s24 =	smov.u32 @p2 s23  }
0x1d: {  	s18 =	sadd.s32 $0x1, s18;
	s23 =	smov.u32 s22;
	s22 =	smov.u32 s24  }
.LBB2_1:
0x1e: {  	p1 =	sgt.u32 s21, $0x1  }
0x1f: {  	s0 =	sshll.u32 @!p1 s21, $0xD  }
0x20: {  	s24 =	sshrl.u32 @!p1 s22, $0x3;
	s0 =	sand.u32 @!p1 $0x3FFFE000, s0  }
0x21: {  	s25 =	sand.u32 @!p1 $0x7, s22;
	s24 =	sadd.s32 @!p1 s2, s24;
	s0 =	sor.u32 @!p1 $0x100, s0  }
0x22: {  	[tilespmem:s0], [sflag:$0x7] =	stream.linear.gather @!p1 [hbm4b:s24+s25], $0x2000, $0x38;
	[tilespmem:$0x12120] =	vst v63  }
0x23: {  	s0 =	sadd.s32 $0xFFFFFFFF, s21  }
0x24: {  	p1 =	sgt.u32 s0, $0x1  }
.Ltmp2:
0x25: {  	_ = 	snop;
	(pc) =	sbr.rel @p1 .LBB2_5-.Ltmp2, $1  }
0x26: {  	_ =	sdelay $0x3  }
0x27: {  	_ =	swait.ge [sflag:s6], $0x2000;
	s24 =	sshll.u32 s0, $0xD  }
0x28: {  	[sflag:s6] =	ssyncset.done $0x0;
	s0 =	sor.u32 $0x100, s24  }
0x29: {  	[sflag:s6] =	ssyncadd.s32 $0xFFFFE000;
	(ifvalue) =	ssetifvalue $0xFFFFFFFF;
	v3 =	vld.msk [tilespmem:s0+$0x0 ss:$0x1], $0xffff;
	_ =	sdelay $0x2  }
0x2a: {  	p1 =	sne.s32 s21, $0x1  }
0x2b: {  	v4 =	vimm.s32 @!p1 $0x0  }
0x2c: {  	v4 =	vperm.xlane @!p1 v3, v4  }
0x2d: {  	s31 =	sshll.u32 s21, $0x4;
	vm4 =	vlt.u32 v3, $0x10800  }
0x2e: {  	s0 =	sand.u32 $0x10, s31;
	v3 =	vnsel vm4, $0xFFFFFFFE, v3;
	vm4 =	vlt.u32 @!p1 v4, $0x10800  }
0x2f: {  	[tilespmem:s0+$0x60] =	vst v3;
	v3 =	vnsel @!p1 vm4, $0xFFFFFFFE, v4  }
0x30: {  	[tilespmem:$0x80] =	vst @!p1 v3  }
0x31: {  	v3 =	vld.msk [tilespmem:s16+$0x0 ss:$0x1], $0xffff;
	_ =	sdelay $0x4  }
0x32: {  	(xrf1) =	vunique.msk.u32 $0xffff, v3;
	_ =	sdelay $0xd  }
0x33: {  	v4 =	vimm.s32 $0xFFFFFFFF;
	v5, _, _ =	vpop (xrf1)  }
0x34: {  	vm5 =	vne.s32 v3, v4;
	vm4 =	veq.s32 v5, v2  }
0x35: {  	vm6 =	vlt.u32 v3, $0x10800;
	vm4 =	vmand vm5, vm4  }
0x36: {  	vm4 =	vmand vm6, vm4  }
0x37: {  	v4 =	vnsel vm4, $0xFFFFFFFF, v3;
	_ =	sdelay $0x3  }
0x38: {  	(ifvalue) =	ssetifvalue $0xFFFFFFFF  }
0x39: {  	v3 =	vperm.xlane v3, v1;
	[tilespmem:s15], [sflag:$0x8] =	stream.indirect_vreg.gather [hbm4b:s1+s14], $0x1, v4, vm0, $0x4038;
	v4 =	vnsel vm6, $0xFFFFFFFE, v4;
	[tilespmem:$0x12120] =	vst v63  }
0x3a: {  	s25 =	simm.s32 $0x0;
	s26 =	sadd.s32 $0xFFFFFFF0, s16;
	s0 =	smov.u32 s15;
	[tilespmem:s16+$0x0] =	vst v4  }
.LBB2_3:
0x3b: {  	v4 =	vld.msk [tilespmem:s26+$0x0 ss:$0x1], $0xffff;
	s25 =	sadd.s32 $0x10, s25;
	v5 =	vmov v3;
	s28 =	smov.u32 s26  }
0x3c: {  	p1 =	slt.u32 s25, $0x1FF0;
	_ =	sdelay $0x4  }
0x3d: {  	v3 =	vperm.xlane v4, v1;
	(xrf1) =	vunique.msk.u32 $0xffff, v4;
	_ =	sdelay $0xd  }
0x3e: {  	v6, _, _ =	vpop (xrf1)  }
0x3f: {  	vm5 =	vne.s32 v4, v5;
	vm4 =	veq.s32 v6, v2  }
0x40: {  	vm6 =	vlt.u32 v4, $0x10800;
	vm4 =	vmand vm5, vm4  }
0x41: {  	vm4 =	vmand vm6, vm4  }
0x42: {  	v4 =	vnsel vm4, $0xFFFFFFFF, v4  }
.Ltmp3:
0x43: {  	v5 =	vnsel vm6, $0xFFFFFFFE, v4;
	(pc) =	sbr.rel @p1 .LBB2_3-.Ltmp3, $3  }
0x44: {  	_ =	sdelay $0x1  }
0x45: {  	s26 =	sadd.s32 $0xFFFFFFF0, s26;
	s0 =	sadd.s32 $0xFFFFFFF0, s0;
	(ifvalue) =	ssetifvalue $0xFFFFFFFF  }
0x46: {  	[tilespmem:s0], [sflag:$0x8] =	stream.indirect_vreg.gather [hbm4b:s1+s14], $0x1, v4, vm0, $0x4038;
	[tilespmem:s28+$0x0] =	vst v5  }
0x47: {  	s0 =	sshrl.u32 s23, $0x3  }
0x48: {  	s31 =	sadd.s32 $0xA100, s24;
	s0 =	sadd.s32 s5, s0  }
0x49: {  	[tilespmem:s31], [sflag:$0x8] =	stream.linear.gather [hbm:s0], $0x2000, $0x38;
	[tilespmem:$0x12120] =	vst v63  }
.LBB2_5:
0x4a: {  	p1 =	sgt.u32 s21, $0x4  }
.Ltmp4:
0x4b: {  	_ = 	snop;
	(pc) =	sbr.rel @p1 .LBB2_7-.Ltmp4, $1  }
0x4c: {  	_ =	sdelay $0x3  }
0x4d: {  	s0 =	sshll.u32 s3, s21  }
0x4e: {  	s0 =	sand.u32 $0x13, s0  }
0x4f: {  	p1 =	sne.s32 s0, $0x0  }
.Ltmp5:
0x50: {  	_ = 	snop;
	(pc) =	sbr.rel @p1 .LBB2_10-.Ltmp5, $1  }
0x51: {  	_ =	sdelay $0x3  }
.LBB2_7:
0x52: {  	s0 =	sadd.s32 $0xFFFFFFFE, s21  }
0x53: {  	s23 =	smulhi.u32 $0xAAAAAAAB, s0;
	_ =	sdelay $0x1  }
0x54: {  	s23 =	sshrl.u32 s23, $0x1  }
0x55: {  	s23 =	smul.u32 $0x3, s23;
	_ =	sdelay $0x1  }
0x56: {  	_ =	swait.ge [sflag:s8], $0x4000;
	s0 =	ssub.s32 s0, s23  }
0x57: {  	p1 =	sne.s32 s21, $0x3;
	[sflag:s8] =	ssyncset.done $0x0;
	s0 =	sshll.u32 s0, $0xD  }
0x58: {  	[sflag:s8] =	ssyncadd.s32 $0xFFFFC000;
	s23 =	sadd.s32 @!p1 $0x20FF, s0  }
0x59: {  	[spmem:s11] =	stream.linear.scatter @!p1 [tilespmem:s23], [sflag:$0x1], $0x1, $0x38;
	[tilespmem:$0x12120] =	vst v63  }
0x5a: {  	s23 =	simm.s32 @!p1 $0x1  }
0x5b: {  	_ =	swait.ge @!p1 [sflag:s23], $0x1  }
0x5c: {  	s24 =	sshll.u32 s21, $0x4;
	[sflag:s23] =	ssyncset.done @!p1 $0x0  }
0x5d: {  	[sflag:s23] =	ssyncadd.s32 @!p1 $0xFFFFFFFF;
	s23 =	sand.u32 $0x10, s24  }
0x5e: {  	v4 =	vld [tilespmem:s23+$0x10];
	s29 =	sxor.u32 $0x10, s23  }
0x5f: {  	v5 =	vld [tilespmem:s29+$0x60]  }
0x60: {  	v3 =	vld [tilespmem:$0x80];
	_ =	sdelay $0x2  }
0x61: {  	(v2sf) =	vpush v4, $0x0  }
0x62: {  	(v2sf) =	vpush v5, $0x0  }
0x63: {  	(v2sf) =	vpush v3, $0x0;
	_ =	sdelay $0xc  }
0x64: {  	s24 =	spop (v2sf)  }
0x65: {  	s26 =	spop (v2sf)  }
0x66: {  	s25 =	spop (v2sf)  }
0x67: {  	p2 =	seq.s32 s24, s26;
	p3 =	seq.s32 s25, s24  }
0x68: {  	p3 =	por p2, p3  }
0x69: {  	v4 =	vpsel p3, $0xFFFFFFFF, v4  }
0x6a: {  	s24 =	sand.u32 $0x1, s21;
	[tilespmem:s23+$0x10] =	vst.msk $0x1, v4  }
0x6b: {  	s26 =	sshll.u32 s24, $0xD;
	v4 =	vld [tilespmem:$0x30]  }
0x6c: {  	v5 =	vld [tilespmem:s26+$0xA100]  }
0x6d: {  	v6 =	vld [tilespmem:s23+$0x40];
	_ =	sdelay $0x3  }
0x6e: {  	vm4 =	vmmov vm1;
	v5 =	vadd.f32 v5, v4  }
0x6f: {  	vm5 =	vmmov vm2;
	vm4 =	vmmov @p2 vm2;
	s24 =	sshll.u32 s24, $0x4;
	v4 =	vadd.f32 v6, v4  }
0x70: {  	vm5 =	vmmov @p3 vm1;
	s24 =	sor.u32 $0x12100, s24;
	[tilespmem:s26+$0xA100] =	vst.msk vm4, v5  }
0x71: {  	[tilespmem:s24+$0x0] =	vst.msk vm5, v4  }
0x72: {  	v4 =	vld [tilespmem:s26+$0x80F0];
	_ =	sdelay $0x3  }
0x73: {  	v5 =	vimm.f32 $0.0e+00  }
0x74: {  	v4 =	vshift.insert v4, v5, s19  }
0x75: {  	s28 =	sor.u32 $0x40, s29  }
0x76: {  	[tilespmem:s28+$0x0] =	vst.msk $0x1, v4  }
0x77: {  	[tilespmem:s26+$0x80FF] =	vst.msk $0x1, v5  }
0x78: {  	v4 =	vld [tilespmem:s0+$0x20F0];
	_ =	sdelay $0x1  }
0x79: {  	s0 =	smulhi.u32 $0xAAAAAAAB, s18;
	_ =	sdelay $0x1  }
0x7a: {  	s28 =	simm.s32 $0x1;
	s0 =	sshrl.u32 s0, $0x1  }
0x7b: {  	s28 =	simm.s32 @!p0 $0x0;
	s0 =	smul.u32 $0xFFFE8000, s0;
	v4 =	vshift.insert v4, v1, s19  }
0x7c: {  	s30 =	sshll.u32 s28, $0xD  }
0x7d: {  	s28 =	sadd.s32 $0xA100, s30;
	s0 =	sshra.s32 s0, $0x2;
	[tilespmem:s29+$0x10] =	vst.msk $0x1, v4  }
0x7e: {  	s0 =	sadd.s32 s0, s17;
	v6 =	vld [tilespmem:s28+$0x0]  }
0x7f: {  	v7 =	vld [tilespmem:s0+$0x0];
	_ =	sdelay $0x3  }
0x80: {  	v5 =	vadd.f32 v6, v5  }
0x81: {  	vm4 =	vne.s32 v7, $0xFFFFFFFF  }
0x82: {  	(xrf2) =	vadd.seg.scan.f32 vm4, v5;
	_ =	sdelay $0x3  }
0x83: {  	s29 =	sadd.s32 $0x6100, s30;
	v5 =	vperm.xlane v4, v1  }
0x84: {  	v6 =	vld [tilespmem:s29+$0x0]  }
0x85: {  	vm5 =	veq.s32 v7, v3;
	vm6 =	veq.s32 v7, v5  }
0x86: {  	vm7 =	vgt.u32 v7, $0xFFFFFFFD;
	vm6 =	vmor vm6, vm5  }
0x87: {  	vm6 =	vmor vm6, vm7  }
0x88: {  	v9 =	vld [tilespmem:$0xA0];
	v7 =	vsel vm6, $0xFFFFFFFF, v7  }
0x89: {  	v10 =	vld [tilespmem:$0x90];
	v6 =	vsel vm5, $0x0, v6;
	v8, _, _ =	vpop (xrf2)  }
0x8a: {  	v6 =	vadd.f32 v8, v6  }
0x8b: {  	s30 =	sadd.s32 $0xE100, s30  }
0x8c: {  	vm4 =	vmand vm4, vm3;
	[tilespmem:s30+$0x0] =	vst v6;
	(ifvalue) =	ssetifvalue $0xFFFFFFFF  }
0x8d: {  	vm6 =	veq.s32 v9, $0x1;
	[hbm4b:s1+s14] =	stream.indirect_vreg.scatter [tilespmem:s30], [sflag:$0x2], $0x1, v7, vm0, $0x4038;
	v7 =	vsel vm4, $0x0, v8;
	[tilespmem:$0x12120] =	vst v63  }
0x8e: {  	s31 =	simm.s32 $0x0;
	s0 =	sadd.s32 $0x10, s0;
	vm4 =	vmor vm6, vm5;
	v6 =	vsel vm5, v8, v10;
	v7 =	vshift.insert v7, v0, s19  }
.LBB2_8:
0x8f: {  	v8 =	vld [tilespmem:s0+$0x0];
	s28 =	sadd.s32 $0x10, s28  }
0x90: {  	s29 =	sadd.s32 $0x10, s29;
	v9 =	vld [tilespmem:s28+$0x0]  }
0x91: {  	s31 =	sadd.s32 $0x10, s31;
	v10 =	vld [tilespmem:s29+$0x0]  }
0x92: {  	p2 =	slt.u32 s31, $0x1FF0;
	_ =	sdelay $0x2  }
0x93: {  	v7 =	vadd.f32 v9, v7  }
0x94: {  	vm5 =	vne.s32 v8, $0xFFFFFFFF  }
0x95: {  	vm6 =	vmand vm5, vm3;
	(xrf2) =	vadd.seg.scan.f32 vm5, v7;
	_ =	sdelay $0x5  }
0x96: {  	vm7 =	veq.s32 v8, v5;
	vm5 =	veq.s32 v8, v3  }
0x97: {  	vm8 =	vgt.u32 v8, $0xFFFFFFFD;
	vm4 =	vmor vm4, vm5;
	vm7 =	vmor vm7, vm5  }
0x98: {  	vm7 =	vmor vm7, vm8  }
0x99: {  	v8 =	vsel vm7, $0xFFFFFFFF, v8  }
.Ltmp6:
0x9a: {  	v7 =	vsel vm5, $0x0, v10;
	v9, _, _ =	vpop (xrf2);
	(pc) =	sbr.rel @p2 .LBB2_8-.Ltmp6, $4  }
0x9b: {  	v6 =	vsel vm5, v9, v6;
	v10 =	vadd.f32 v9, v7;
	v7 =	vsel vm6, $0x0, v9  }
0x9c: {  	s30 =	sadd.s32 $0x10, s30;
	v7 =	vshift.insert v7, v0, s19  }
0x9d: {  	s0 =	sadd.s32 $0x10, s0;
	[tilespmem:s30+$0x0] =	vst v10;
	(ifvalue) =	ssetifvalue $0xFFFFFFFF  }
0x9e: {  	[hbm4b:s1+s14] =	stream.indirect_vreg.scatter [tilespmem:s30], [sflag:$0x2], $0x1, v8, vm0, $0x4038;
	[tilespmem:$0x12120] =	vst v63  }
0x9f: {  	v3 =	vld [tilespmem:s26+$0x100F0];
	_ =	sdelay $0x4  }
0xa0: {  	v3 =	vshift.insert v3, v0, s19;
	_ =	sdelay $0x1  }
0xa1: {  	[tilespmem:s20+$0x0] =	vst.msk $0x1, v3  }
0xa2: {  	v3 =	vsel vm4, $0x1, v1;
	[tilespmem:$0x90] =	vst v6  }
0xa3: {  	s0 =	sadd.s32 @!p1 $0x100FF, s26;
	[tilespmem:$0xA0] =	vst v3  }
0xa4: {  	[spmem:s12] =	stream.linear.scatter @!p1 [tilespmem:s0], [sflag:$0x1], $0x1, $0x38;
	[tilespmem:$0x12120] =	vst v63  }
0xa5: {  	s0 =	simm.s32 @!p1 $0x1  }
0xa6: {  	v3 =	vmctz.xlane @!p1 vm4;
	_ =	swait.ge @!p1 [sflag:s0], $0x1  }
0xa7: {  	(v2sf) =	vpush @!p1 v4, $0x0  }
0xa8: {  	(v2sf) =	vpush @!p1 v3, $0x0;
	_ =	sdelay $0xd  }
0xa9: {  	s26 =	spop @!p1 (v2sf)  }
0xaa: {  	s28 =	spop @!p1 (v2sf)  }
0xab: {  	p2 =	sne.s32 @!p1 s25, s26;
	p3 =	slt.s32 @!p1 s28, $0xF  }
0xac: {  	[sflag:s0] =	ssyncset.done @!p1 $0x0;
	p2 =	por p2, p1;
	p3 =	por !p3, p1  }
0xad: {  	[sflag:s0] =	ssyncadd.s32 @!p1 $0xFFFFFFFF;
	v3 =	vimm.s32 @!p2 $0xFFFFFFFF;
	s28 =	simm.s32 @p3 $0xF  }
0xae: {  	[tilespmem:$0x80] =	vst @!p2 v3;
	s25 =	sadd.s32 @!p1 $0x90, s28  }
0xaf: {  	[spmem:s9] =	stream.linear.scatter @!p1 [tilespmem:s25], [sflag:$0x1], $0x1, $0x38;
	[tilespmem:$0x12120] =	vst v63  }
0xb0: {  	_ =	swait.ge @!p1 [sflag:s0], $0x1  }
0xb1: {  	[sflag:s0] =	ssyncset.done @!p1 $0x0  }
0xb2: {  	s25 =	simm.s32 @!p1 $0x80;
	[sflag:s0] =	ssyncadd.s32 @!p1 $0xFFFFFFFF  }
0xb3: {  	[spmem:s13] =	stream.linear.scatter @!p1 [tilespmem:s25], [sflag:$0x1], $0x1, $0x38;
	[tilespmem:$0x12120] =	vst v63  }
0xb4: {  	_ =	swait.ge @!p1 [sflag:s0], $0x1  }
0xb5: {  	[sflag:s0] =	ssyncset.done @!p1 $0x0  }
0xb6: {  	[sflag:s0] =	ssyncadd.s32 @!p1 $0xFFFFFFFF;
	(ifvalue) =	ssetifvalue $0xFFFFFFFF;
	v3 =	vld [tilespmem:s23+$0x10];
	_ =	sdelay $0x3  }
.Ltmp7:
0xb7: {  	_ = 	snop;
	(pc) =	sbr.rel .LBB2_10-.Ltmp7, $3  }
0xb8: {  	_ =	sdelay $0x1  }
0xb9: {  	(ifvalue) =	ssetifvalue $0xFFFFFFFF  }
0xba: {  	[hbm4b:s1+s14] =	stream.indirect_vreg.scatter [tilespmem:s24], [sflag:$0x9], $0x1, v3, vm0, $0x4038;
	[tilespmem:$0x12120] =	vst v63  }
.LBB2_11:
0xbb: {  	_ =	sfence.sel $0x180000  }
0xbc: {  	s0 =	simm.s32 $0x7;
	[bflag:$0x0] =	sbarrier.arrive $0xFFFF  }
0xbd: {  	s26 =	simm.s32 $0x8;
	[sflag:s0] =	ssyncpa.u1 $0x1  }
0xbe: {  	s28 =	simm.s32 $0x9;
	[sflag:s26] =	ssyncpa.u1 $0x1  }
0xbf: {  	[sflag:s28] =	ssyncpa.u1 $0x1  }
0xc0: {  	_ =	sfence.stream.spmem  }
0xc1: {  	s29 =	simm.s32 $0x3;
	[bflag:$0x0] =	sbarrier.arrive $0xFFFF  }
0xc2: {  	s30 =	simm.s32 $0x4;
	[sflag:s29] =	ssyncpa.u1 $0x1  }
0xc3: {  	s31 =	simm.s32 $0x3C;
	[sflag:s30] =	ssyncpa.u1 $0x1  }
0xc4: {  	p0 =	sne.s32 s4, $0x0;
	[sflag:s31] =	ssyncpa.u1 $0x1  }
0xc5: {  	s0 =	simm.s32 @p0 $0x1;
	_ =	sfence @p0  }
0xc6: {  	[sflag:s0] =	ssyncpa.u1 @p0 $0x1;
	s0 =	simm.s32 @p0 $0x2  }
0xc7: {  	[sflag:s0] =	ssyncpa.u1 @p0 $0x1  }
0xc8: {  	_ =	strace @p0 $0x90000047  }
0xc9: {  	[bflag:$0x2] =	sbarrier.arrive @p0 $0xFFFF  }
0xca: {  	_ =	shalt @p0  }
.LBB2_12:
0xcb: {  	_ =	sfence.stream.spmem;
	s0 =	simm.s32 $0x5  }
0xcc: {  	s2 =	simm.s32 $0x80;
	s3 =	simm.s32 $0xC0;
	[sflag:s0] =	ssyncpa.u1 $0x0  }
0xcd: {  	[tilespmem:s3], [sflag:$0x5] =	stream.linear.gather [spmem:s2], $0x20, $0x38;
	[tilespmem:$0x12120] =	vst v63  }
0xce: {  	s2 =	simm.s32 $0x0;
	s3 =	simm.s32 $0xE0  }
0xcf: {  	[tilespmem:s3], [sflag:$0x5] =	stream.linear.gather [spmem:s2], $0x20, $0x38;
	[tilespmem:$0x12120] =	vst v63  }
.Ltmp8:
0xd0: {  	_ = 	snop;
	(pc) =	sbr.rel .LBB2_13-.Ltmp8, $4  }
0xd1: {  	_ =	swait.ge [sflag:s0], $0x40  }
0xd2: {  	[sflag:s0] =	ssyncset.done $0x0  }
0xd3: {  	s31 =	simm.s32 $0x6;
	[sflag:s0] =	ssyncadd.s32 $0xFFFFFFC0  }
0xd4: {  	s4 =	simm.s32 $0x0;
	[sflag:s31] =	ssyncpa.u1 $0x0  }
.LBB2_18:
0xd5: {  	p0 =	sgt.u32 s5, $0x107FF  }
0xd6: {  	s0 =	sshrl.u32 @!p0 s5, $0x3  }
0xd7: {  	s5 =	sand.u32 @!p0 $0x7, s5;
	s6 =	simm.s32 @!p0 $0xB0;
	s0 =	sadd.s32 @!p0 s1, s0  }
0xd8: {  	[tilespmem:s6], [sflag:$0x6] =	stream.linear.gather @!p0 [hbm4b:s0+s5], $0x1, $0x38;
	[tilespmem:$0x12120] =	vst v63  }
0xd9: {  	s0 =	simm.s32 @!p0 $0x6  }
0xda: {  	_ =	swait.ge @!p0 [sflag:s0], $0x1  }
0xdb: {  	[sflag:s0] =	ssyncset.done @!p0 $0x0  }
0xdc: {  	[sflag:s0] =	ssyncadd.s32 @!p0 $0xFFFFFFFF  }
0xdd: {  	v2 =	vmov @!p0 s4;
	v1 =	vld.msk @!p0 [tilespmem:$0xB0], $0x1;
	_ =	sdelay $0x3  }
0xde: {  	s0 =	simm.s32 @!p0 $0xE0  }
0xdf: {  	[tilespmem:v2+s0+$0x0], v1 =	vst.idx.ret.add.f32.msk @!p0 $0x1, v1  }
0xe0: {  	[tilespmem:s2+$0xC0] =	vst.msk $0x1, v0  }
0xe1: {  	v0 =	vld.msk [tilespmem:s4+$0xE0], $0x1;
	_ =	sdelay $0x4  }
0xe2: {  	[tilespmem:s2+$0xE0] =	vst.msk $0x1, v0;
	s2 =	sadd.s32 $0x1, s2  }
.LBB2_20:
0xe3: {  	s4 =	sadd.s32 $0x1, s4  }
0xe4: {  	p0 =	sne.s32 s4, $0x20  }
.Ltmp9:
0xe5: {  	_ = 	snop;
	(pc) =	sbr.rel @!p0 .LBB2_21-.Ltmp9, $1  }
0xe6: {  	_ =	sdelay $0x3  }
.LBB2_13:
0xe7: {  	v0 =	vld.msk [tilespmem:s4+$0xC0], $0x1;
	_ =	sdelay $0x4  }
0xe8: {  	(v2sf) =	vpush v0, $0x0;
	_ =	sdelay $0xe  }
0xe9: {  	s5 =	spop (v2sf)  }
0xea: {  	p0 =	seq.s32 s5, $0xFFFFFFFF  }
.Ltmp10:
0xeb: {  	_ = 	snop;
	(pc) =	sbr.rel @p0 .LBB2_20-.Ltmp10, $1  }
0xec: {  	_ =	sdelay $0x3  }
0xed: {  	p0 =	slt.s32 s2, $0x1  }
.Ltmp11:
0xee: {  	_ = 	snop;
	(pc) =	sbr.rel @p0 .LBB2_18-.Ltmp11, $1  }
0xef: {  	_ =	sdelay $0x3  }
0xf0: {  	s6 =	simm.s32 $0xC0;
	p0 =	por $0x0, $0x0  }
0xf1: {  	v1 =	vld.msk @!p0 [tilespmem:s6+$0x0], $0x1;
	_ =	sdelay $0x4  }
0xf2: {  	(v2sf) =	vpush @!p0 v1, $0x0;
	_ =	sdelay $0xd  }
0xf3: {  	p2 =	sne.s32 s2, $0x1  }
.Ltmp12:
0xf4: {  	s0 =	spop @!p0 (v2sf);
	(pc) =	sbr.rel @!p2 .LBB2_17-.Ltmp12, $4  }
0xf5: {  	p1 =	seq.s32 @!p0 s5, s0  }
0xf6: {  	s0 =	simm.s32 $0x0;
	p1 =	por !p1, p0  }
0xf7: {  	s8 =	simm.s32 $0xFFFFFFFF;
	s0 =	simm.s32 @p1 $0xFFFFFFFF  }
0xf8: {  	s7 =	simm.s32 $0x1;
	s0 =	smov.u32 @p0 s8  }
.LBB2_16:
0xf9: {  	s8 =	smov.u32 s0;
	p0 =	sne.s32 s0, $0xFFFFFFFF  }
0xfa: {  	s6 =	sadd.s32 $0x1, s6;
	s0 =	smov.u32 s7;
	s7 =	sadd.s32 $0x1, s7  }
0xfb: {  	p1 =	sne.s32 s2, s7;
	v1 =	vld.msk @!p0 [tilespmem:s6+$0x0], $0x1;
	_ =	sdelay $0x4  }
0xfc: {  	(v2sf) =	vpush @!p0 v1, $0x0;
	_ =	sdelay $0xe  }
.Ltmp13:
0xfd: {  	s9 =	spop @!p0 (v2sf);
	(pc) =	sbr.rel @p1 .LBB2_16-.Ltmp13, $4  }
0xfe: {  	p2 =	seq.s32 @!p0 s5, s9  }
0xff: {  	p2 =	por !p2, p0  }
0x100: {  	s0 =	simm.s32 @p2 $0xFFFFFFFF  }
0x101: {  	s0 =	smov.u32 @p0 s8  }
.LBB2_17:
0x102: {  	p0 =	sne.s32 s0, $0xFFFFFFFF  }
.Ltmp14:
0x103: {  	_ = 	snop;
	(pc) =	sbr.rel @!p0 .LBB2_18-.Ltmp14, $1  }
0x104: {  	_ =	sdelay $0x3  }
0x105: {  	v0 =	vld.msk [tilespmem:s4+$0xE0], $0x1;
	v1 =	vmov s0  }
.Ltmp15:
0x106: {  	_ = 	snop;
	(pc) =	sbr.rel .LBB2_20-.Ltmp15, $2  }
0x107: {  	_ =	sdelay $0x2  }
0x108: {  	[tilespmem:v1+s3+$0x0], v0 =	vst.idx.ret.add.f32.msk $0x1, v0  }
.LBB2_21:
0x109: {  	p0 =	slt.s32 s2, $0x1  }
.Ltmp16:
0x10a: {  	_ = 	snop;
	(pc) =	sbr.rel @p0 .LBB2_25-.Ltmp16, $3  }
0x10b: {  	_ =	sdelay $0x1  }
0x10c: {  	s0 =	simm.s32 $0x6  }
0x10d: {  	s3 =	simm.s32 $0x0;
	[sflag:s0] =	ssyncpa.u1 $0x1  }
0x10e: {  	s0 =	simm.s32 $0xC0  }
0x10f: {  	v0 =	vld.msk [tilespmem:s0+$0x0], $0x1;
	_ =	sdelay $0x4  }
0x110: {  	(v2sf) =	vpush v0, $0x0;
	_ =	sdelay $0xe  }
0x111: {  	s2 =	sadd.s32 $0xFFFFFFFF, s2;
	s4 =	spop (v2sf)  }
0x112: {  	p1 =	sne.s32 s2, $0x0;
	p0 =	sgt.u32 s4, $0x107FF  }
.Ltmp17:
0x113: {  	s5 =	sshrl.u32 @!p0 s4, $0x3;
	(pc) =	sbr.rel @!p1 .LBB2_24-.Ltmp17, $4  }
0x114: {  	s0 =	simm.s32 $0xE0;
	s4 =	sand.u32 @!p0 $0x7, s4;
	s5 =	sadd.s32 @!p0 s1, s5  }
0x115: {  	[hbm4b:s5+s4] =	stream.linear.scatter @!p0 [tilespmem:s0], [sflag:$0x5], $0x1, $0x38;
	[tilespmem:$0x12120] =	vst v63  }
0x116: {  	s5 =	simm.s32 $0x0  }
0x117: {  	s4 =	simm.s32 $0xC1;
	s5 =	simm.s32 @!p0 $0x4  }
.LBB2_23:
0x118: {  	v0 =	vld.msk [tilespmem:s4+$0x0], $0x1;
	s2 =	sadd.s32 $0xFFFFFFFF, s2;
	s3 =	sadd.s32 s3, s5  }
0x119: {  	p0 =	sne.s32 s2, $0x0;
	_ =	sdelay $0x3  }
0x11a: {  	(v2sf) =	vpush v0, $0x0;
	_ =	sdelay $0xe  }
.Ltmp18:
0x11b: {  	s6 =	spop (v2sf);
	(pc) =	sbr.rel @p0 .LBB2_23-.Ltmp18, $4  }
0x11c: {  	s5 =	simm.s32 $0x0;
	p1 =	sgt.u32 s6, $0x107FF  }
0x11d: {  	s0 =	sadd.s32 $0x1, s0;
	s5 =	simm.s32 @!p1 $0x4;
	s7 =	sshrl.u32 @!p1 s6, $0x3  }
0x11e: {  	s4 =	sadd.s32 $0x1, s4;
	s6 =	sand.u32 @!p1 $0x7, s6;
	s7 =	sadd.s32 @!p1 s1, s7  }
0x11f: {  	[hbm4b:s7+s6] =	stream.linear.scatter @!p1 [tilespmem:s0], [sflag:$0x5], $0x1, $0x38;
	[tilespmem:$0x12120] =	vst v63  }
.LBB2_24:
0x120: {  	s0 =	sadd.s32 s3, s5  }
0x121: {  	s3 =	sshrl.u32 s0, $0x2  }
.LBB2_25:
0x122: {  	s0 =	simm.s32 $0x5  }
0x123: {  	_ =	swait.ge [sflag:s0], s3  }
0x124: {  	s1 =	ssub.s32 $0x0, s3;
	[sflag:s0] =	ssyncset.done $0x0  }
0x125: {  	[sflag:s0] =	ssyncadd.s32 s1  }
0x126: {  	[sflag:s0] =	ssyncpa.u1 $0x1  }
0x127: {  	s29 =	simm.s32 $0x1;
	_ =	sfence  }
0x128: {  	s30 =	simm.s32 $0x2;
	[sflag:s29] =	ssyncpa.u1 $0x1  }
0x129: {  	[sflag:s30] =	ssyncpa.u1 $0x1  }
0x12a: {  	_ =	strace $0x90000047  }
0x12b: {  	[bflag:$0x2] =	sbarrier.arrive $0xFFFF  }
0x12c: {  	s31 =	rddreg [dreg:$0x1]  }
0x12d: {  	s0 =	sadd.s32 $0x100000, s31  }
0x12e: {  	[sflag:s0] =	ssyncadd.tile.s32 $0x1;
	_ =	shalt  }
.Lfunc_end2:
_tile_overlayer_lowered:
.L_overlay_start_2:
0x12f: {  	(tag) =	ssettag $0x2  }
0x130: {  	s0 =	rddreg [dreg:$0x0];
	s2 =	stileid.u32  }
0x131: {  	s1 =	rddreg [dreg:$0x1];
	p0 =	sne.s32 s2, $0x0  }
0x132: {  	s3 =	rddreg [dreg:$0x2];
	[bflag:$0x3] =	sbarrier.arrive $0xFFFF;
	s2 =	simm.s32 @!p0 $0x1C01  }
0x133: {  	[timem:s3], [sflag:s2] =	dma.local @!p0 [hbm:s0], s1  }
0x134: {  	s0 =	simm.s32 @!p0 $0x1  }
0x135: {  	_ =	swait.ge @!p0 [sflag:s0], s1  }
0x136: {  	s1 =	ssub.s32 @!p0 $0x0, s1;
	[sflag:s0] =	ssyncset.done @!p0 $0x0  }
0x137: {  	[sflag:s0] =	ssyncadd.s32 @!p0 s1  }
0x138: {  	[bflag:$0x3] =	sbarrier.arrive $0xFFFF  }
0x139: {  	_ =	shalt  }

</sc_bundles>
